<compile_context>
chip_gen: v7x
topology: tpu7x:2x2x1
jax: 0.10.2.dev20260603
libtpu: 0.0.44.dev20260713+nightly
codegen_flags: <defaults>
</compile_context>

<pallas_src>
import functools

import jax
import jax.numpy as jnp
import numpy as np
from jax.experimental import pallas as pl

_B = 8
_N0 = 512
_M1 = int(np.ceil(_N0 * 0.999))
_M2 = int(np.ceil(_M1 * 0.33))
_R1 = 0.4
_R2 = 0.6
_KNBR = 64


def _mlp(params, x):
    for W, b in params:
        x = jnp.maximum(jnp.dot(x, W) + b, 0.0)
    return x


def _fps(pts, m):
    n = pts.shape[0]
    idxs0 = jnp.zeros((m,), dtype=jnp.int32)
    d0 = jnp.full((n,), jnp.inf, dtype=jnp.float32)

    def body(i, st):
        idxs, d = st
        last = pts[idxs[i - 1]]
        dd = jnp.sum((pts - last) ** 2, axis=1)
        d = jnp.minimum(d, dd)
        idxs = idxs.at[i].set(jnp.argmax(d).astype(jnp.int32))
        return (idxs, d)

    idxs, _ = jax.lax.fori_loop(1, m, body, (idxs0, d0))
    return idxs


def _point_conv(x, pos, cpos, r, params):
    d2 = jnp.sum((cpos[:, None, :] - pos[None, :, :]) ** 2, axis=-1)
    neg, nbr = jax.lax.top_k(-d2, _KNBR)
    valid = (-neg) <= r * r
    xj = x[nbr]
    rel = pos[nbr] - cpos[:, None, :]
    msg = _mlp(params, jnp.concatenate([xj, rel], axis=-1))
    msg = jnp.where(valid[:, :, None], msg, -jnp.inf)
    return jnp.max(msg, axis=1)


def _knn_interp(x, pos_x, pos_y, k):
    d2 = jnp.sum((pos_y[:, None, :] - pos_x[None, :, :]) ** 2, axis=-1)
    neg, idx = jax.lax.top_k(-d2, k)
    w = 1.0 / jnp.clip(-neg, 1e-16, None)
    xf = x[idx]
    return jnp.sum(xf * w[:, :, None], axis=1) / jnp.sum(w, axis=1, keepdims=True)


def _fp1_body(h_ref, w1_ref, b1_ref, w2_ref, b2_ref, o_ref):
    h = jnp.maximum(jnp.dot(h_ref[...], w1_ref[...],
                            preferred_element_type=jnp.float32) + b1_ref[...], 0.0)
    o_ref[...] = jnp.maximum(jnp.dot(h, w2_ref[...],
                                     preferred_element_type=jnp.float32) + b2_ref[...], 0.0)


def kernel(x, pos, batch, params):
    xb = x.reshape(_B, _N0, -1)
    pb = pos.reshape(_B, _N0, 3)
    x1 = jax.vmap(lambda xc, pc: _point_conv(xc, pc, pc, _R1, params['sa1']))(xb, pb)
    p1 = pb
    idx2 = jax.vmap(lambda p: _fps(p, _M2))(p1)
    p2 = jax.vmap(lambda pc, ic: pc[ic])(p1, idx2)
    x2 = jax.vmap(lambda xc, pc, cp: _point_conv(xc, pc, cp, _R2, params['sa2']))(x1, p1, p2)
    h3 = _mlp(params['sa3'], jnp.concatenate([x2, p2], axis=-1))
    x3 = jnp.max(h3, axis=1, keepdims=True)
    xi3 = jnp.broadcast_to(x3, (_B, _M2, x3.shape[-1]))
    f3 = _mlp(params['fp3'], jnp.concatenate([xi3, x2], axis=-1))
    xi2 = jax.vmap(lambda xc, px, py: _knn_interp(xc, px, py, 3))(f3, p2, p1)
    f2 = _mlp(params['fp2'], jnp.concatenate([xi2, x1], axis=-1))
    xi1 = jax.vmap(lambda xc, px, py: _knn_interp(xc, px, py, 3))(f2, p1, pb)
    h = jnp.concatenate([xi1, xb], axis=-1).reshape(_B * _N0, -1)
    (w1, b1), (w2, b2) = params['fp1']
    hp = jnp.pad(h, ((0, 0), (0, 256 - h.shape[1])))
    w1p = jnp.pad(w1, ((0, 256 - w1.shape[0]), (0, 0)))
    out = pl.pallas_call(
        _fp1_body,
        out_shape=jax.ShapeDtypeStruct((_B * _N0, 128), jnp.float32),
    )(hp, w1p, b1[None, :], w2, b2[None, :])
    return out

# --- scband reference (transcript-rebuilt; emitter-appended) ---
"""Pipeline reference for scband-joint-encoder-33165737459943 (READ-ONLY COPY).

The authoritative reference and input builder live on the scoring server;
editing this copy changes nothing except your own understanding.
"""

import jax, jax.numpy as jnp
import numpy as np

B = 8
N0 = 512
M1 = int(np.ceil(N0 * 0.999))
M2 = int(np.ceil(M1 * 0.33))
R1 = 0.4
R2 = 0.6
KNBR = 64


def init_mlp(key, dims):
    params = []
    for i in range(len(dims) - 1):
        key, k1, k2 = jax.random.split(key, 3)
        lim = 1.0 / np.sqrt(dims[i])
        W = jax.random.uniform(k1, (dims[i], dims[i + 1]), minval=-lim, maxval=lim, dtype=jnp.float32)
        b = jax.random.uniform(k2, (dims[i + 1],), minval=-lim, maxval=lim, dtype=jnp.float32)
        params.append((W, b))
    return params


def mlp_apply(params, x):
    for W, b in params:
        x = jnp.maximum(jnp.dot(x, W) + b, 0.0)
    return x


def fps_cloud(pts, m):
    n = pts.shape[0]
    idxs0 = jnp.zeros((m,), dtype=jnp.int32)
    d0 = jnp.full((n,), jnp.inf, dtype=jnp.float32)

    def body(i, st):
        idxs, d = st
        last = pts[idxs[i - 1]]
        dd = jnp.sum((pts - last) ** 2, axis=1)
        d = jnp.minimum(d, dd)
        idxs = idxs.at[i].set(jnp.argmax(d).astype(jnp.int32))
        return (idxs, d)

    idxs, _ = jax.lax.fori_loop(1, m, body, (idxs0, d0))
    return idxs


def point_conv_cloud(x, pos, cidx, r, params):
    cpos = pos[cidx]
    d2 = jnp.sum((cpos[:, None, :] - pos[None, :, :]) ** 2, axis=-1)
    neg, nbr = jax.lax.top_k(-d2, KNBR)
    valid = (-neg) <= r * r
    xj = x[nbr]
    rel = pos[nbr] - cpos[:, None, :]
    msg = mlp_apply(params, jnp.concatenate([xj, rel], axis=-1))
    msg = jnp.where(valid[:, :, None], msg, -jnp.inf)
    return jnp.max(msg, axis=1)


def knn_interp_cloud(x, pos_x, pos_y, k):
    d2 = jnp.sum((pos_y[:, None, :] - pos_x[None, :, :]) ** 2, axis=-1)
    neg, idx = jax.lax.top_k(-d2, k)
    w = 1.0 / jnp.clip(-neg, 1e-16, None)
    xf = x[idx]
    return jnp.sum(xf * w[:, :, None], axis=1) / jnp.sum(w, axis=1, keepdims=True)


def setup_inputs(seed: int = 0):
    key = jax.random.key(seed)
    kx, kp, kw = jax.random.split(key, 3)
    x = jax.random.normal(kx, (B * N0, 1), dtype=jnp.float32)
    pos = jax.random.uniform(kp, (B * N0, 3), dtype=jnp.float32)
    batch = jnp.repeat(jnp.arange(B, dtype=jnp.int32), N0)
    ks = jax.random.split(kw, 6)
    params = {
        'sa1': init_mlp(ks[0], [4, 64, 64, 128]),
        'sa2': init_mlp(ks[1], [131, 128, 128, 256]),
        'sa3': init_mlp(ks[2], [259, 256, 256, 512]),
        'fp3': init_mlp(ks[3], [768, 256, 256]),
        'fp2': init_mlp(ks[4], [384, 128, 128]),
        'fp1': init_mlp(ks[5], [129, 128, 128]),
    }
    return {'x': x, 'pos': pos, 'batch': batch, 'params': params}


def reference(x, pos, batch, params):
    xb = x.reshape(B, N0, -1)
    pb = pos.reshape(B, N0, 3)
    # SA1: fps(ratio=0.999) + radius(0.4) PointConv (max aggr)
    idx1 = jax.vmap(lambda p: fps_cloud(p, M1))(pb)
    x1 = jax.vmap(lambda xc, pc, ic: point_conv_cloud(xc, pc, ic, R1, params['sa1']))(xb, pb, idx1)
    p1 = jax.vmap(lambda pc, ic: pc[ic])(pb, idx1)
    # SA2: fps(ratio=0.33) + radius(0.6) PointConv
    idx2 = jax.vmap(lambda p: fps_cloud(p, M2))(p1)
    x2 = jax.vmap(lambda xc, pc, ic: point_conv_cloud(xc, pc, ic, R2, params['sa2']))(x1, p1, idx2)
    p2 = jax.vmap(lambda pc, ic: pc[ic])(p1, idx2)
    # Global SA: mlp(cat(x,pos)) + global max pool
    h3 = mlp_apply(params['sa3'], jnp.concatenate([x2, p2], axis=-1))
    x3 = jnp.max(h3, axis=1, keepdims=True)
    p3 = jnp.zeros((B, 1, 3), dtype=pos.dtype)
    # FP3 (k=1)
    xi3 = jax.vmap(lambda xc, px, py: knn_interp_cloud(xc, px, py, 1))(x3, p3, p2)
    f3 = mlp_apply(params['fp3'], jnp.concatenate([xi3, x2], axis=-1))
    # FP2 (k=3)
    xi2 = jax.vmap(lambda xc, px, py: knn_interp_cloud(xc, px, py, 3))(f3, p2, p1)
    f2 = mlp_apply(params['fp2'], jnp.concatenate([xi2, x1], axis=-1))
    # FP1 (k=3)
    xi1 = jax.vmap(lambda xc, px, py: knn_interp_cloud(xc, px, py, 3))(f2, p1, pb)
    f1 = mlp_apply(params['fp1'], jnp.concatenate([xi1, xb], axis=-1))
    return f1.reshape(B * N0, -1)

if __name__ == "__main__":
    import jax
    _d = setup_inputs()
    print(jax.jit(kernel)(*tuple(_d.values())))

</pallas_src>

<mosaic_0001>
module attributes {stable_mosaic.version = 14 : i64} {
  func.func @_fp1_body(%arg0: memref<4096x256xf32, #tpu.memory_space<vmem>>, %arg1: memref<256x128xf32, #tpu.memory_space<vmem>>, %arg2: memref<1x128xf32, #tpu.memory_space<vmem>>, %arg3: memref<128x128xf32, #tpu.memory_space<vmem>>, %arg4: memref<1x128xf32, #tpu.memory_space<vmem>>, %arg5: memref<4096x128xf32, #tpu.memory_space<vmem>>) attributes {dimension_semantics = [], scalar_prefetch = 0 : i64, scratch_operands = 0 : i64, tpu.core_type = #tpu.core_type<tc>} {
    %get3A = arith.constant 0 : index
    %get3A_0 = arith.constant 0 : index
    %get3A_1 = vector.load %arg0[%get3A, %get3A_0] : memref<4096x256xf32, #tpu.memory_space<vmem>>, vector<4096x256xf32>
    %get3A_2 = arith.constant 0 : index
    %get3A_3 = arith.constant 0 : index
    %get3A_4 = vector.load %arg1[%get3A_2, %get3A_3] : memref<256x128xf32, #tpu.memory_space<vmem>>, vector<256x128xf32>
    %dot_general3A = arith.constant dense<0.000000e+00> : vector<4096x128xf32>
    %dot_general3A_5 = tpu.matmul %get3A_1, %get3A_4, %dot_general3A {dimension_numbers = #tpu.dot_dimension_numbers<[1], [0], [0], [1], [0, 0, 1, 1], [], []>, transpose_lhs_hint = false} : vector<4096x256xf32>, vector<256x128xf32>, vector<4096x128xf32> -> vector<4096x128xf32>
    %get3A_6 = arith.constant 0 : index
    %get3A_7 = arith.constant 0 : index
    %get3A_8 = vector.load %arg2[%get3A_6, %get3A_7] : memref<1x128xf32, #tpu.memory_space<vmem>>, vector<1x128xf32>
    %add3A = vector.broadcast %get3A_8 : vector<1x128xf32> to vector<4096x128xf32>
    %add3A_9 = arith.addf %dot_general3A_5, %add3A : vector<4096x128xf32>
    %max3A = arith.constant 0.000000e+00 : f32
    %max3A_10 = vector.broadcast %max3A : f32 to vector<4096x128xf32>
    %max3A_11 = arith.maximumf %add3A_9, %max3A_10 : vector<4096x128xf32>
    %get3A_12 = arith.constant 0 : index
    %get3A_13 = arith.constant 0 : index
    %get3A_14 = vector.load %arg3[%get3A_12, %get3A_13] : memref<128x128xf32, #tpu.memory_space<vmem>>, vector<128x128xf32>
    %dot_general3A_15 = arith.constant dense<0.000000e+00> : vector<4096x128xf32>
    %dot_general3A_16 = tpu.matmul %max3A_11, %get3A_14, %dot_general3A_15 {dimension_numbers = #tpu.dot_dimension_numbers<[1], [0], [0], [1], [0, 0, 1, 1], [], []>, transpose_lhs_hint = false} : vector<4096x128xf32>, vector<128x128xf32>, vector<4096x128xf32> -> vector<4096x128xf32>
    %get3A_17 = arith.constant 0 : index
    %get3A_18 = arith.constant 0 : index
    %get3A_19 = vector.load %arg4[%get3A_17, %get3A_18] : memref<1x128xf32, #tpu.memory_space<vmem>>, vector<1x128xf32>
    %add3A_20 = vector.broadcast %get3A_19 : vector<1x128xf32> to vector<4096x128xf32>
    %add3A_21 = arith.addf %dot_general3A_16, %add3A_20 : vector<4096x128xf32>
    %max3A_22 = arith.constant 0.000000e+00 : f32
    %max3A_23 = vector.broadcast %max3A_22 : f32 to vector<4096x128xf32>
    %max3A_24 = arith.maximumf %add3A_21, %max3A_23 : vector<4096x128xf32>
    %swap3A = arith.constant 0 : index
    %swap3A_25 = arith.constant 0 : index
    %swap3A_26 = vector.load %arg5[%swap3A, %swap3A_25] : memref<4096x128xf32, #tpu.memory_space<vmem>>, vector<4096x128xf32>
    tpu.vector_store %arg5[%swap3A, %swap3A_25], %max3A_24 {strides = array<i32>} : memref<4096x128xf32, #tpu.memory_space<vmem>>, vector<4096x128xf32>,
    return
  }
}

</mosaic_0001>

<sc_bundles>
// kernel: gather_offload_async_start
scs
__scs_entry_jumppad:
0x0: {  	(pc) =	sbr.rel $0x88, $3  }
0x1: {  	(tag) =	ssettag $0x0;
	lr =	simm.s32 $0x1  }
0x2: {  	[smem:$0x3F81] =	sst lr;
	_ =	strace $0xD0000000  }
0x3: {  	_ = 	snop  }
0x4: {  	_ = 	snop  }
0x5: {  	_ = 	snop  }
0x6: {  	_ = 	snop  }
0x7: {  	_ = 	snop  }
__scs_overlays_trampoline_lowered:
0x8: {  	[smem:$0x3F90] =	sst s0  }
0x9: {  	[smem:$0x3F91] =	sst s1  }
0xa: {  	[smem:$0x3F92] =	sst s2  }
0xb: {  	[smem:$0x3F93] =	sst s3  }
0xc: {  	[smem:$0x3F94] =	sst s4  }
0xd: {  	[smem:$0x3F95] =	sst s5  }
0xe: {  	[smem:$0x3F96] =	sst s6  }
0xf: {  	[smem:$0x3F97] =	sst s7  }
0x10: {  	[smem:$0x3F98] =	sst s8  }
0x11: {  	[smem:$0x3F99] =	sst s9;
	s0 =	simm.s32 @!p0 $0x0  }
0x12: {  	s1 =	sld [smem:$0x3F7F];
	s0 =	simm.s32 @p0 $0x1  }
0x13: {  	[smem:$0x3F9A] =	sst s0;
	s0 =	simm.s32 @!p1 $0x0  }
0x14: {  	s2 =	sld [smem:$0x3F7E];
	s0 =	simm.s32 @p1 $0x1  }
0x15: {  	[smem:$0x3F9B] =	sst s0;
	s0 =	simm.s32 @!p2 $0x0  }
0x16: {  	s3 =	sld [smem:$0x3FDB];
	s0 =	simm.s32 @p2 $0x1  }
0x17: {  	s4 =	simm.s32 $0x1BF5;
	[smem:$0x3F9D] =	sst s0  }
0x18: {  	s0 =	sld [smem:$0x3F80];
	_ =	swait.ge [sflag:s4], $0x0  }
0x19: {  	s7 =	sld [smem:$0x3F81]  }
0x1a: {  	s8 =	sadd.s32 $0xFFFFE003, lr  }
0x1b: {  	s9 =	sadd.s32 $0xFFFFFEF7, lr;
	s5 =	simm.s32 $0xFFFFFFFF;
	p2 =	slt.u32 s8, $0xFFFFF086  }
0x1c: {  	p1 =	slt.u32 s9, $0xF7A;
	s5 =	simm.s32 @!p2 $0x0  }
0x1d: {  	s5 =	simm.s32 @p1 $0x1;
	p0 =	seq.s32 s7, s2  }
0x1e: {  	s7 =	smul.u32 @!p0 $0xF7A, s2;
	p2 =	seq.s32 @!p0 s5, $0x0  }
0x1f: {  	s9 =	smul.u32 $0xF7A, s1;
	s8 =	simm.s32 @!p0 $0x1BF5;
	p2 =	por !p2, p0  }
0x20: {  	[sflag:s8] =	ssyncset.s32 @!p0 $0xFFFFF086;
	s6 =	sadd.s32 @!p0 s3, s7;
	s7 =	simm.s32 @!p0 $0x108  }
0x21: {  	s3 =	sadd.s32 s3, s9;
	s6 =	sadd.s32 @!p0 $0x88, s6;
	s7 =	simm.s32 @p2 $0x1082  }
0x22: {  	[simem:s7], [sflag:s8] =	dma.local @!p0 [hbm:s6], $0xF7A  }
0x23: {  	s9 =	sor.u32 $0xD0000000, s2;
	s6 =	simm.s32 $0x108;
	_ =	swait.ge @!p0 [sflag:s8], $0x0  }
0x24: {  	s3 =	sadd.s32 $0x88, s3;
	s6 =	simm.s32 @!p1 $0x1082;
	[sflag:s4] =	ssyncset.s32 $0xFFFFF086  }
0x25: {  	[simem:s6], [sflag:s4] =	dma.local [hbm:s3], $0xF7A  }
0x26: {  	[smem:$0x3F81] =	sst s1;
	(tag) =	ssettag s2;
	_ =	strace s9  }
0x27: {  	s1 =	sld [smem:$0x3F91]  }
0x28: {  	s2 =	sld [smem:$0x3F92]  }
0x29: {  	s4 =	sld [smem:$0x3F94]  }
0x2a: {  	p0 =	seq.s32 s5, $0x0;
	s5 =	sld [smem:$0x3F95]  }
0x2b: {  	s6 =	sld [smem:$0x3F96]  }
0x2c: {  	s7 =	sld [smem:$0x3F97]  }
0x2d: {  	s3 =	simm.s32 $0x108;
	s8 =	sld [smem:$0x3F98]  }
0x2e: {  	s3 =	simm.s32 @!p0 $0x1082;
	s9 =	sld [smem:$0x3F99]  }
0x2f: {  	lr =	sadd.s32 s0, s3;
	s0 =	sld [smem:$0x3F90]  }
0x30: {  	s3 =	sld [smem:$0x3F93]  }
0x31: {  	[smem:$0x3F9C] =	sst s10  }
0x32: {  	s10 =	sld [smem:$0x3F9A];
	_ =	sdelay $0x3  }
0x33: {  	p0 =	seq.s32 s10, $0x1;
	s10 =	sld [smem:$0x3F9C];
	_ =	sdelay $0x3  }
0x34: {  	[smem:$0x3F9C] =	sst s10  }
0x35: {  	s10 =	sld [smem:$0x3F9B];
	_ =	sdelay $0x3  }
0x36: {  	p1 =	seq.s32 s10, $0x1;
	s10 =	sld [smem:$0x3F9C];
	_ =	sdelay $0x3  }
0x37: {  	[smem:$0x3F9C] =	sst s10  }
0x38: {  	s10 =	sld [smem:$0x3F9D]  }
0x39: {  	_ = 	snop;
	(pc) =	sbr.ind lr, $3  }
0x3a: {  	_ = 	snop  }
0x3b: {  	_ = 	snop  }
0x3c: {  	p2 =	seq.s32 s10, $0x1;
	s10 =	sld [smem:$0x3F9C]  }
0x3d: {  	_ =	shalt  }
0x3e: {  	_ =	shalt  }
0x3f: {  	_ =	shalt  }
0x40: {  	_ =	shalt  }
0x41: {  	_ =	shalt  }
0x42: {  	_ =	shalt  }
0x43: {  	_ =	shalt  }
0x44: {  	_ =	shalt  }
0x45: {  	_ =	shalt  }
0x46: {  	_ =	shalt  }
0x47: {  	_ =	shalt  }
0x48: {  	_ =	shalt  }
0x49: {  	_ =	shalt  }
0x4a: {  	_ =	shalt  }
0x4b: {  	_ =	shalt  }
0x4c: {  	_ =	shalt  }
0x4d: {  	_ =	shalt  }
0x4e: {  	_ =	shalt  }
0x4f: {  	_ =	shalt  }
0x50: {  	_ =	shalt  }
0x51: {  	_ =	shalt  }
0x52: {  	_ =	shalt  }
0x53: {  	_ =	shalt  }
0x54: {  	_ =	shalt  }
0x55: {  	_ =	shalt  }
0x56: {  	_ =	shalt  }
0x57: {  	_ =	shalt  }
0x58: {  	_ =	shalt  }
0x59: {  	_ =	shalt  }
0x5a: {  	_ =	shalt  }
0x5b: {  	_ =	shalt  }
0x5c: {  	_ =	shalt  }
0x5d: {  	_ =	shalt  }
0x5e: {  	_ =	shalt  }
0x5f: {  	_ =	shalt  }
0x60: {  	_ =	shalt  }
0x61: {  	_ =	shalt  }
0x62: {  	_ =	shalt  }
0x63: {  	_ =	shalt  }
0x64: {  	_ =	shalt  }
0x65: {  	_ =	shalt  }
0x66: {  	_ =	shalt  }
0x67: {  	_ =	shalt  }
0x68: {  	_ =	shalt  }
0x69: {  	_ =	shalt  }
0x6a: {  	_ =	shalt  }
0x6b: {  	_ =	shalt  }
0x6c: {  	_ =	shalt  }
0x6d: {  	_ =	shalt  }
0x6e: {  	_ =	shalt  }
0x6f: {  	_ =	shalt  }
0x70: {  	_ =	shalt  }
0x71: {  	_ =	shalt  }
0x72: {  	_ =	shalt  }
0x73: {  	_ =	shalt  }
0x74: {  	_ =	shalt  }
0x75: {  	_ =	shalt  }
0x76: {  	_ =	shalt  }
0x77: {  	_ =	shalt  }
0x78: {  	_ =	shalt  }
0x79: {  	_ =	shalt  }
0x7a: {  	_ =	shalt  }
0x7b: {  	_ =	shalt  }
0x7c: {  	_ =	shalt  }
0x7d: {  	_ =	shalt  }
0x7e: {  	_ =	shalt  }
0x7f: {  	_ =	shalt  }
0x80: {  	_ =	shalt  }
0x81: {  	_ =	shalt  }
0x82: {  	_ =	shalt  }
0x83: {  	_ =	shalt  }
0x84: {  	_ =	shalt  }
0x85: {  	_ =	shalt  }
0x86: {  	_ =	shalt  }
0x87: {  	_ =	shalt  }
.Lfunc_end0:
.L_simem_size_0:
called_computation_lowered:
.L_overlay_start_0:
0x88: {  	s0 =	sld [smem:$0x3FD9]  }
0x89: {  	s1 =	sld [smem:$0x3FFE];
	_ =	sdelay $0x3  }
0x8a: {  	s0 =	sadd.s32 s1, s0  }
0x8b: {  	[smem:$0x3FA8] =	sst s0  }
0x8c: {  	_ = 	snop  }
0x8d: {  	(tm) =	ssettm $0x1  }
0x8e: {  	s15 =	sld [smem:$0x3FFB];
	_ =	sdelay $0x3  }
0x8f: {  	_ =	strace s15  }
0x90: {  	s0 =	sld [smem:$0x3FFC];
	_ =	sdelay $0x3  }
0x91: {  	_ =	strace s0  }
0x92: {  	s0 =	sld [smem:$0x3FFD];
	_ =	sdelay $0x3  }
0x93: {  	_ =	strace s0  }
0x94: {  	_ =	strace $0x8FFFFFFF  }
0x95: {  	s16 =	sld [smem:$0x3FDB];
	_ =	sdelay $0x1  }
0x96: {  	s17 =	simm.s32 $_scs_section_size  }
0x97: {  	s2 =	simm.s32 $_size__tile_overlayer_lowered;
	s3 =	simm.s32 $_tile_overlayer_lowered  }
0x98: {  	s20 =	simm.s32 $0x1BFF;
	s19 =	sshll.u32 s3, $0x1;
	s0 =	sadd.s32 s17, s16  }
0x99: {  	s4 =	simm.s32 $0x0;
	s18 =	sshll.u32 s2, $0x1;
	s2 =	sadd.s32 s19, s0  }
0x9a: {  	[timem:s4], [sflag:s20] =	dma.local [hbm:s2], s18  }
0x9b: {  	_ =	swait.ge [sflag:s20], s18  }
0x9c: {  	s1 =	ssub.s32 $0x0, s18;
	[sflag:s20] =	ssyncset.done $0x0  }
0x9d: {  	[sflag:s20] =	ssyncadd.s32 s1;
	_ =	sdelay $0x1  }
0x9e: {  	s21 =	simm.s32 $0x1B8B  }
0x9f: {  	_ =	swait.ge [sflag:s21], $0x1  }
0xa0: {  	[sflag:s21] =	ssyncset.done $0x0  }
0xa1: {  	s23 =	simm.s32 $0x1B8E;
	s22 =	sld [smem:$0x3FFE];
	[sflag:s21] =	ssyncadd.s32 $0xFFFFFFFF  }
0xa2: {  	s24 =	simm.s32 $execute0_lowered;
	[smem:$0x3FD2] =	sst s23  }
0xa3: {  	s2 =	sshll.u32 s24, $0x1;
	_ =	strace $0x80000046;
	[dreg:$0x1] =	wrdreg $0xFFFFFFFF  }
0xa4: {  	s25 =	simm.s32 $_size_execute0_lowered;
	s0 =	sadd.s32 s0, s2;
	[dreg:$0x0] =	wrdreg $0x0  }
0xa5: {  	s2 =	sshll.u32 s25, $0x1;
	[dreg:$0x2] =	wrdreg s0  }
0xa6: {  	[dreg:$0x3] =	wrdreg s2  }
0xa7: {  	[dreg:$0x4] =	wrdreg $0xC0  }
0xa8: {  	_ =	task [dreg:s4], $0x5FFFF  }
0xa9: {  	[dreg:$0x1] =	wrdreg $0xFFFFFFFF  }
0xaa: {  	[dreg:$0x0] =	wrdreg $0x60  }
0xab: {  	[dreg:$0x2] =	wrdreg s22  }
0xac: {  	[dreg:$0x3] =	wrdreg $0x9  }
0xad: {  	_ =	task.clear_ibuf [dreg:s4], $0x4FFFF;
	_ =	strace $0x90000046  }
0xae: {  	s26 =	simm.s32 $0x9;
	_ =	strace $0x80000048  }
0xaf: {  	_ =	swait.ge [sflag:s26], $0x1  }
0xb0: {  	[sflag:s26] =	ssyncadd.s32 $0xFFFFFFFF  }
0xb1: {  	_ =	strace $0x90000048  }
0xb2: {  	_ =	sfence  }
0xb3: {  	s28 =	sld [smem:$0x0];
	_ =	sdelay $0x1  }
0xb4: {  	s29 =	srdreg.scid  }
0xb5: {  	s30 =	sshll.u32 s29, $0xD;
	s31 =	sshrl.u32 s29, $0x2  }
0xb6: {  	s1 =	sand.u32 $0x1, s29;
	s2 =	sand.u32 $0x4000, s30;
	s0 =	sadd.s32 s31, s28  }
0xb7: {  	s1 =	sor.u32 s2, s1;
	s0 =	sshll.u32 s0, $0x11  }
0xb8: {  	s0 =	sor.u32 s0, s1  }
0xb9: {  	s0 =	sadd.s32 $0x8F2B, s0  }
0xba: {  	[sflag:s0] =	ssyncadd.remote.s32 $0x1  }
0xbb: {  	_ =	sfence.sel $0xFFFF  }
0xbc: {  	[dreg:$0x0] =	wrdreg $0xFFFFFFFF;
	(pc) =	sbr.abs _section_cstart, $3  }
0xbd: {  	[dreg:$0x1] =	wrdreg $0xFFFFFFFF  }
0xbe: {  	_ =	task.clear_ibuf [dreg:s4], $0x2FFFF;
	_ =	strace $0x9FFFFFFF  }
0xbf: {  	(tm) =	ssettm $0x7FFFFFFF  }
tec
execute0_lowered:
.L_overlay_start_1:
0x0: {  	(tag) =	ssettag $0x1  }
0x1: {  	s0 =	stileid.u32  }
0x2: {  	s1 =	smul.u32 $0xA, s0  }
0x3: {  	s2 =	smin.u32 s0, $0x9  }
0x4: {  	s4 =	simm.s32 $0x58;
	p0 =	slt.u32 s0, $0x9;
	s1 =	sadd.s32 s2, s1  }
0x5: {  	s3 =	rddreg [dreg:$0x0];
	s4 =	simm.s32 @!p0 $0x50;
	s2 =	sshll.u32 s1, $0x3  }
0x6: {  	s7 =	simm.s32 $0x1;
	s31 =	simm.s32 $0x2;
	s4 =	sadd.s32 s4, s2  }
0x7: {  	s8 =	simm.s32 $0x3;
	s12 =	simm.s32 $0x0;
	s4 =	smin.u32 s4, $0x548  }
0x8: {  	s9 =	simm.s32 $0x0;
	s10 =	simm.s32 $0x0;
	s6 =	ssub.s32 s4, s2  }
0x9: {  	s1 =	rddreg [dreg:$0x1];
	_ =	strace $0x80000047;
	p0 =	sgt.s32 s6, $0x0  }
0xa: {  	s5 =	sadd.s32 $0x200, s3;
	[sflag:s7] =	ssyncpa.u1 $0x0;
	s6 =	simm.s32 @!p0 $0x0  }
0xb: {  	s7 =	sadd.s32 $0x18200, s3;
	[sflag:s31] =	ssyncpa.u1 $0x0;
	s6 =	sshrl.u32 s6, $0x3  }
0xc: {  	s11 =	smov.u32 s2;
	[sflag:s8] =	ssyncpa.u1 $0x0;
	s8 =	sadd.s32 $0x1, s6  }
.LBB2_1:
0xd: {  	p0 =	sge.u32 s10, s6  }
0xe: {  	s31 =	sadd.s32 $0xFFFFFFFF, s10;
	s13 =	sxor.u32 @!p0 $0xFFFFFFFF, s9;
	s14 =	sshrl.u32 @!p0 s11, $0x3  }
0xf: {  	s15 =	sand.u32 @!p0 $0x7, s11;
	s13 =	sand.u32 @!p0 $0x8, s13;
	s14 =	sadd.s32 @!p0 s3, s14  }
0x10: {  	[tilespmem:s13], [sflag:$0x2] =	stream.linear.gather @!p0 [hbm4b:s14+s15], $0x8, $0x38;
	[tilespmem:$0x810] =	vst v63  }
0x11: {  	p0 =	sge.u32 s31, s6  }
0x12: {  	s13 =	simm.s32 @!p0 $0x2  }
0x13: {  	_ =	swait.ge @!p0 [sflag:s13], $0x8  }
0x14: {  	s14 =	sand.u32 @!p0 $0x1, s10;
	[sflag:s13] =	ssyncset.done @!p0 $0x0  }
0x15: {  	[sflag:s13] =	ssyncadd.s32 @!p0 $0xFFFFFFF8;
	s13 =	sshll.u32 @!p0 s14, $0x3  }
0x16: {  	v0 =	vld.msk @!p0 [tilespmem:s13+$0x0 ss:$0x1], $0xff;
	_ =	sdelay $0x4  }
0x17: {  	v1 =	vshll.u32 @!p0 v0, $0x4  }
0x18: {  	vm0 =	veq.s32 @!p0 v0, $0x80000000;
	v0 =	vshll.u32 @!p0 v0, $0x10;
	v1 =	vand.u32 @!p0 $0xFF80, v1  }
0x19: {  	v0 =	vand.u32 @!p0 $0x70000, v0;
	v1 =	vsel @!p0 vm0, $0xFFFFFF80, v1  }
0x1a: {  	v0 =	vsel @!p0 vm0, $0xFFFF0000, v0;
	v2 =	vand.u32 @!p0 $0xFFFFFC00, v1  }
0x1b: {  	v1 =	vand.u32 @!p0 $0x380, v1;
	v0 =	vadd.s32 @!p0 v0, v2  }
0x1c: {  	v0 =	vor.u32 @!p0 v1, v0  }
0x1d: {  	v0 =	vshrl.u32 @!p0 v0, $0x3;
	_ =	sdelay $0x2  }
0x1e: {  	s13 =	sshll.u32 @!p0 s14, $0xA  }
0x1f: {  	s14 =	simm.s32 @!p0 $0x1;
	s13 =	sor.u32 @!p0 $0x10, s13;
	vm0 =	vmmov @!p0 $0xff  }
0x20: {  	[tilespmem:s13], [sflag:$0x1] =	stream.indirect_vreg.gather @!p0 [hbm:s5], $0x80, v0, vm0, $0x38;
	[tilespmem:$0x810] =	vst v63  }
0x21: {  	_ =	swait.ge @!p0 [sflag:s14], $0x400  }
0x22: {  	s12 =	sshll.u32 @!p0 s12, $0x4;
	[sflag:s14] =	ssyncset.done @!p0 $0x0  }
0x23: {  	s12 =	sadd.s32 @!p0 s7, s12;
	[sflag:s14] =	ssyncadd.s32 @!p0 $0xFFFFFC00  }
0x24: {  	[hbm:s12] =	stream.linear.scatter @!p0 [tilespmem:s13], [sflag:$0x3], $0x400, $0x38;
	[tilespmem:$0x810] =	vst v63  }
0x25: {  	s12 =	sadd.s32 $0x8, s11  }
0x26: {  	s14 =	smov.u32 s2;
	p1 =	slt.s32 s12, s4  }
0x27: {  	s14 =	smov.u32 @p1 s12;
	p1 =	sne.s32 s10, s8  }
.Ltmp0:
0x28: {  	p0 =	slt.u32 s10, $0x2;
	(pc) =	sbr.rel @p1 .LBB2_1-.Ltmp0, $4  }
0x29: {  	s13 =	simm.s32 @!p0 $0x3  }
0x2a: {  	_ =	swait.ge @!p0 [sflag:s13], $0x400  }
0x2b: {  	s9 =	sadd.s32 $0x8, s9;
	s12 =	smov.u32 s11;
	[sflag:s13] =	ssyncset.done @!p0 $0x0  }
0x2c: {  	s10 =	sadd.s32 $0x1, s10;
	s11 =	smov.u32 s14;
	[sflag:s13] =	ssyncadd.s32 @!p0 $0xFFFFFC00  }
0x2d: {  	_ =	sfence.sel $0x180000  }
0x2e: {  	s2 =	simm.s32 $0x2;
	[bflag:$0x0] =	sbarrier.arrive $0xFFFF  }
0x2f: {  	s30 =	simm.s32 $0x3;
	[sflag:s2] =	ssyncpa.u1 $0x1  }
0x30: {  	s31 =	simm.s32 $0x1;
	[sflag:s30] =	ssyncpa.u1 $0x1  }
0x31: {  	[sflag:s31] =	ssyncpa.u1 $0x1  }
0x32: {  	p0 =	sne.s32 s0, $0x0;
	_ =	strace $0x90000047  }
0x33: {  	s0 =	sadd.s32 @!p0 $0x100000, s1;
	[bflag:$0x2] =	sbarrier.arrive $0xFFFF  }
0x34: {  	[sflag:s0] =	ssyncadd.tile.s32 @!p0 $0x1;
	_ =	shalt  }
.Lfunc_end2:
_tile_overlayer_lowered:
.L_overlay_start_2:
0x35: {  	(tag) =	ssettag $0x2  }
0x36: {  	s0 =	rddreg [dreg:$0x0];
	s2 =	stileid.u32  }
0x37: {  	s1 =	rddreg [dreg:$0x1];
	p0 =	sne.s32 s2, $0x0  }
0x38: {  	s3 =	rddreg [dreg:$0x2];
	[bflag:$0x3] =	sbarrier.arrive $0xFFFF;
	s2 =	simm.s32 @!p0 $0x1C01  }
0x39: {  	[timem:s3], [sflag:s2] =	dma.local @!p0 [hbm:s0], s1  }
0x3a: {  	s0 =	simm.s32 @!p0 $0x1  }
0x3b: {  	_ =	swait.ge @!p0 [sflag:s0], s1  }
0x3c: {  	s1 =	ssub.s32 @!p0 $0x0, s1;
	[sflag:s0] =	ssyncset.done @!p0 $0x0  }
0x3d: {  	[sflag:s0] =	ssyncadd.s32 @!p0 s1  }
0x3e: {  	[bflag:$0x3] =	sbarrier.arrive $0xFFFF  }
0x3f: {  	_ =	shalt  }

</sc_bundles>
